<compile_context>
chip_gen: v7x
topology: tpu7x:2x2x1
jax: 0.10.2.dev20260603
libtpu: 0.0.44.dev20260713+nightly
codegen_flags: <defaults>
</compile_context>

<pallas_src>
import functools

import jax
import jax.numpy as jnp
from jax import lax
from jax.experimental import pallas as pl
from jax.experimental.pallas import tpu as pltpu
from jax.experimental.pallas import tpu_sc as plsc

CHUNK = 128
PAIR = 2
NBUF = 6


@functools.cache
def _build(B: int, V: int, D: int):
    info = plsc.get_sparse_core_info()
    NC, NS = info.num_cores, info.num_subcores
    NW = NC * NS
    assert B % (NW * CHUNK) == 0
    b_per_w = B // NW
    n_chunks = b_per_w // CHUNK
    assert n_chunks > NBUF
    mesh = plsc.VectorSubcoreMesh(core_axis_name="c", subcore_axis_name="s")

    @functools.partial(
        pl.kernel,
        out_type=jax.ShapeDtypeStruct((B, D), jnp.float32),
        mesh=mesh,
        scratch_types=[
            pltpu.VMEM((n_chunks, CHUNK), jnp.int32),
            pltpu.VMEM((NBUF, CHUNK, D), jnp.float32),
            pltpu.SemaphoreType.DMA,
            pltpu.SemaphoreType.DMA,
        ],
    )
    def gather_kernel(idx_hbm, table_hbm, out_hbm, idx_v, rows_v, gsem, osem):
        wid = lax.axis_index("s") * NC + lax.axis_index("c")
        base = wid * b_per_w
        pltpu.sync_copy(idx_hbm.at[wid], idx_v)

        def start_gather(c):
            pltpu.async_copy(
                table_hbm.at[idx_v.at[c]], rows_v.at[lax.rem(c, NBUF)], gsem
            )

        def wait_gather(slot):
            pltpu.make_async_copy(
                table_hbm.at[pl.ds(0, CHUNK)], rows_v.at[slot], gsem
            ).wait()

        def wait_out():
            pltpu.make_async_copy(
                rows_v.at[0], out_hbm.at[pl.ds(base, CHUNK)], osem
            ).wait()

        for c in range(NBUF):
            start_gather(c)

        n_pairs = n_chunks // PAIR

        def body(g, carry):
            for u in range(PAIR):
                j = g * PAIR + u
                slot = lax.rem(j, NBUF)
                wait_gather(slot)
                pltpu.async_copy(
                    rows_v.at[slot], out_hbm.at[pl.ds(base + j * CHUNK, CHUNK)], osem
                )

            @pl.when(g >= 1)
            def _():
                for _u in range(PAIR):
                    wait_out()

            @pl.when(jnp.logical_and(g >= 1, g + 2 < n_pairs))
            def _():
                for u in range(PAIR):
                    start_gather((g + 2) * PAIR + u)

            return carry

        lax.fori_loop(0, n_pairs, body, 0)
        for _ in range(PAIR):
            wait_out()

    return gather_kernel, NW, n_chunks


def kernel(x, logits_table):
    BATCH, HIST = x.shape[0], x.shape[1]
    B = BATCH * HIST
    V, D = logits_table.shape
    fn, NW, n_chunks = _build(B, V, D)
    ids = jnp.swapaxes(x.reshape(BATCH, HIST), 0, 1)
    ids = ids.reshape(NW, n_chunks, CHUNK).astype(jnp.int32)
    out = fn(ids, logits_table)
    return jnp.swapaxes(out.reshape(HIST, BATCH, D), 0, 1)

# --- scband reference (transcript-rebuilt; emitter-appended) ---
"""Pipeline reference for scband-table-embed-model-71270687309946 (READ-ONLY COPY).

The authoritative reference and input builder live on the scoring server;
editing this copy changes nothing except your own understanding.
"""

import jax, jax.numpy as jnp
import numpy as np

VOCAB = 100000
EMBED_DIM = 128
BATCH = 16384
HIST = 20

def setup_inputs(seed: int = 0) -> dict:
    key = jax.random.key(seed)
    k1, k2 = jax.random.split(key)
    x = jax.random.randint(k1, (BATCH, HIST, 1), 0, VOCAB)
    logits_table = jax.random.normal(k2, (VOCAB, EMBED_DIM), dtype=jnp.float32)
    return {"x": x, "logits_table": logits_table}

def reference(x, logits_table):
    # ids = x.squeeze(-1).long(); return logits_table[ids]
    ids = jnp.squeeze(x, axis=-1).astype(jnp.int32)
    out = jnp.take(logits_table, ids, axis=0)
    return out

if __name__ == "__main__":
    import jax
    _d = setup_inputs()
    print(jax.jit(kernel)(*tuple(_d.values())))

</pallas_src>

<mosaic_0001>
#map = affine_map<(d0, d1) -> (0, 0, 0)>
#map1 = affine_map<(d0, d1) -> (0, 0)>
module attributes {stable_mosaic.version = 14 : i64} {
  func.func @gather_kernel(%arg0: i32, %arg1: i32, %arg2: memref<32x80x128xi32, #tpu.memory_space<hbm>>, %arg3: memref<100000x128xf32, #tpu.memory_space<hbm>>, %arg4: memref<327680x128xf32, #tpu.memory_space<hbm>>, %arg5: memref<80x128xi32, #tpu.memory_space<vmem>>, %arg6: memref<6x128x128xf32, #tpu.memory_space<vmem>>, %arg7: memref<!tpu.dma_semaphore, #tpu.memory_space<semaphore_mem>>, %arg8: memref<!tpu.dma_semaphore, #tpu.memory_space<semaphore_mem>>) attributes {dimension_semantics = [#tpu.dimension_semantics<core_parallel>, #tpu.dimension_semantics<subcore_parallel>], iteration_bounds = array<i64: 2, 16>, scalar_prefetch = 0 : i64, scratch_operands = 4 : i64, tpu.core_type = #tpu.core_type<sc_vector_subcore>, window_params = [{transform_indices = #map}, {transform_indices = #map1}, {transform_indices = #map1}]} {
    %mul3A = arith.constant 2 : i32
    %mul3A_0 = arith.muli %arg1, %mul3A : i32
    %add3A = arith.addi %mul3A_0, %arg0 : i32
    %mul3A_1 = arith.constant 10240 : i32
    %mul3A_2 = arith.muli %add3A, %mul3A_1 : i32
    "tpu.region"() ({
      %run_scoped3A = tpu.sem_alloc : memref<!tpu.dma_semaphore, #tpu.memory_space<semaphore_mem>>
      %dma_start3A_115 = arith.constant 0 : i32
      %dma_start3A_116 = arith.constant 0 : i32
      %dma_start3A_117 = tpu.memref_slice %arg2[%add3A, %dma_start3A_115, %dma_start3A_116] : memref<32x80x128xi32, #tpu.memory_space<hbm>> -> memref<1x80x128xi32, #tpu.memory_space<hbm>>
      %dma_start3A_118 = tpu.memref_squeeze %dma_start3A_117 : memref<1x80x128xi32, #tpu.memory_space<hbm>> -> memref<80x128xi32, #tpu.memory_space<hbm>>
      %dma_start3A_119 = arith.constant 0 : i32
      %dma_start3A_120 = arith.constant 0 : i32
      %dma_start3A_121 = tpu.memref_slice %arg2[%add3A, %dma_start3A_119, %dma_start3A_120] : memref<32x80x128xi32, #tpu.memory_space<hbm>> -> memref<1x80x128xi32, #tpu.memory_space<hbm>>
      %dma_start3A_122 = tpu.memref_squeeze %dma_start3A_121 : memref<1x80x128xi32, #tpu.memory_space<hbm>> -> memref<80x128xi32, #tpu.memory_space<hbm>>
      tpu.enqueue_dma source(%dma_start3A_122 : memref<80x128xi32, #tpu.memory_space<hbm>>) target(%arg5 : memref<80x128xi32, #tpu.memory_space<vmem>>) target_semaphore(%run_scoped3A : memref<!tpu.dma_semaphore, #tpu.memory_space<semaphore_mem>>)
      %dma_wait3A_123 = arith.constant 0 : i32
      %dma_wait3A_124 = arith.constant 0 : i32
      %dma_wait3A_125 = tpu.memref_slice %arg2[%add3A, %dma_wait3A_123, %dma_wait3A_124] : memref<32x80x128xi32, #tpu.memory_space<hbm>> -> memref<1x80x128xi32, #tpu.memory_space<hbm>>
      %dma_wait3A_126 = tpu.memref_squeeze %dma_wait3A_125 : memref<1x80x128xi32, #tpu.memory_space<hbm>> -> memref<80x128xi32, #tpu.memory_space<hbm>>
      %dma_wait3A_127 = arith.constant 0 : i32
      %dma_wait3A_128 = arith.constant 0 : i32
      %dma_wait3A_129 = tpu.memref_slice %arg2[%add3A, %dma_wait3A_127, %dma_wait3A_128] : memref<32x80x128xi32, #tpu.memory_space<hbm>> -> memref<1x80x128xi32, #tpu.memory_space<hbm>>
      %dma_wait3A_130 = tpu.memref_squeeze %dma_wait3A_129 : memref<1x80x128xi32, #tpu.memory_space<hbm>> -> memref<80x128xi32, #tpu.memory_space<hbm>>
      tpu.wait_dma2 semaphore(%run_scoped3A : memref<!tpu.dma_semaphore, #tpu.memory_space<semaphore_mem>>) src(%dma_wait3A_130 : memref<80x128xi32, #tpu.memory_space<hbm>>) dst(%arg5 : memref<80x128xi32, #tpu.memory_space<vmem>>)
      tpu.yield
    }) : () -> ()
    %rem3A = arith.constant 0 : i32
    %rem3A_3 = arith.constant 6 : i32
    %rem3A_4 = arith.remsi %rem3A, %rem3A_3 : i32
    %dma_start3A = arith.constant 0 : i32
    %dma_start3A_5 = arith.constant 0 : i32
    %dma_start3A_6 = arith.constant 0 : i32
    %dma_start3A_7 = tpu.memref_slice %arg6[%rem3A_4, %dma_start3A_5, %dma_start3A_6] : memref<6x128x128xf32, #tpu.memory_space<vmem>> -> memref<1x128x128xf32, #tpu.memory_space<vmem>>
    %dma_start3A_8 = tpu.memref_squeeze %dma_start3A_7 : memref<1x128x128xf32, #tpu.memory_space<vmem>> -> memref<128x128xf32, #tpu.memory_space<vmem>>
    %dma_start3A_9 = arith.constant 0 : i32
    %dma_start3A_10 = tpu.memref_slice %arg5[%dma_start3A, %dma_start3A_9] : memref<80x128xi32, #tpu.memory_space<vmem>> -> memref<1x128xi32, #tpu.memory_space<vmem>>
    %dma_start3A_11 = tpu.memref_squeeze %dma_start3A_10 : memref<1x128xi32, #tpu.memory_space<vmem>> -> memref<128xi32, #tpu.memory_space<vmem>>
    %dma_start3A_12 = arith.constant 0 : i32
    %dma_start3A_13 = arith.constant 0 : i32
    %dma_start3A_14 = tpu.memref_slice %arg3[%dma_start3A_12, %dma_start3A_13] : memref<100000x128xf32, #tpu.memory_space<hbm>> -> memref<100000x128xf32, #tpu.memory_space<hbm>>
    tpu.enqueue_indirect_dma source(%dma_start3A_14 : memref<100000x128xf32, #tpu.memory_space<hbm>>) target(%dma_start3A_8 : memref<128x128xf32, #tpu.memory_space<vmem>>) offsets(%dma_start3A_11 : memref<128xi32, #tpu.memory_space<vmem>>) semaphore(%arg7 : memref<!tpu.dma_semaphore, #tpu.memory_space<semaphore_mem>>)
    %rem3A_15 = arith.constant 1 : i32
    %rem3A_16 = arith.constant 6 : i32
    %rem3A_17 = arith.remsi %rem3A_15, %rem3A_16 : i32
    %dma_start3A_18 = arith.constant 1 : i32
    %dma_start3A_19 = arith.constant 0 : i32
    %dma_start3A_20 = arith.constant 0 : i32
    %dma_start3A_21 = tpu.memref_slice %arg6[%rem3A_17, %dma_start3A_19, %dma_start3A_20] : memref<6x128x128xf32, #tpu.memory_space<vmem>> -> memref<1x128x128xf32, #tpu.memory_space<vmem>>
    %dma_start3A_22 = tpu.memref_squeeze %dma_start3A_21 : memref<1x128x128xf32, #tpu.memory_space<vmem>> -> memref<128x128xf32, #tpu.memory_space<vmem>>
    %dma_start3A_23 = arith.constant 0 : i32
    %dma_start3A_24 = tpu.memref_slice %arg5[%dma_start3A_18, %dma_start3A_23] : memref<80x128xi32, #tpu.memory_space<vmem>> -> memref<1x128xi32, #tpu.memory_space<vmem>>
    %dma_start3A_25 = tpu.memref_squeeze %dma_start3A_24 : memref<1x128xi32, #tpu.memory_space<vmem>> -> memref<128xi32, #tpu.memory_space<vmem>>
    %dma_start3A_26 = arith.constant 0 : i32
    %dma_start3A_27 = arith.constant 0 : i32
    %dma_start3A_28 = tpu.memref_slice %arg3[%dma_start3A_26, %dma_start3A_27] : memref<100000x128xf32, #tpu.memory_space<hbm>> -> memref<100000x128xf32, #tpu.memory_space<hbm>>
    tpu.enqueue_indirect_dma source(%dma_start3A_28 : memref<100000x128xf32, #tpu.memory_space<hbm>>) target(%dma_start3A_22 : memref<128x128xf32, #tpu.memory_space<vmem>>) offsets(%dma_start3A_25 : memref<128xi32, #tpu.memory_space<vmem>>) semaphore(%arg7 : memref<!tpu.dma_semaphore, #tpu.memory_space<semaphore_mem>>)
    %rem3A_29 = arith.constant 2 : i32
    %rem3A_30 = arith.constant 6 : i32
    %rem3A_31 = arith.remsi %rem3A_29, %rem3A_30 : i32
    %dma_start3A_32 = arith.constant 2 : i32
    %dma_start3A_33 = arith.constant 0 : i32
    %dma_start3A_34 = arith.constant 0 : i32
    %dma_start3A_35 = tpu.memref_slice %arg6[%rem3A_31, %dma_start3A_33, %dma_start3A_34] : memref<6x128x128xf32, #tpu.memory_space<vmem>> -> memref<1x128x128xf32, #tpu.memory_space<vmem>>
    %dma_start3A_36 = tpu.memref_squeeze %dma_start3A_35 : memref<1x128x128xf32, #tpu.memory_space<vmem>> -> memref<128x128xf32, #tpu.memory_space<vmem>>
    %dma_start3A_37 = arith.constant 0 : i32
    %dma_start3A_38 = tpu.memref_slice %arg5[%dma_start3A_32, %dma_start3A_37] : memref<80x128xi32, #tpu.memory_space<vmem>> -> memref<1x128xi32, #tpu.memory_space<vmem>>
    %dma_start3A_39 = tpu.memref_squeeze %dma_start3A_38 : memref<1x128xi32, #tpu.memory_space<vmem>> -> memref<128xi32, #tpu.memory_space<vmem>>
    %dma_start3A_40 = arith.constant 0 : i32
    %dma_start3A_41 = arith.constant 0 : i32
    %dma_start3A_42 = tpu.memref_slice %arg3[%dma_start3A_40, %dma_start3A_41] : memref<100000x128xf32, #tpu.memory_space<hbm>> -> memref<100000x128xf32, #tpu.memory_space<hbm>>
    tpu.enqueue_indirect_dma source(%dma_start3A_42 : memref<100000x128xf32, #tpu.memory_space<hbm>>) target(%dma_start3A_36 : memref<128x128xf32, #tpu.memory_space<vmem>>) offsets(%dma_start3A_39 : memref<128xi32, #tpu.memory_space<vmem>>) semaphore(%arg7 : memref<!tpu.dma_semaphore, #tpu.memory_space<semaphore_mem>>)
    %rem3A_43 = arith.constant 3 : i32
    %rem3A_44 = arith.constant 6 : i32
    %rem3A_45 = arith.remsi %rem3A_43, %rem3A_44 : i32
    %dma_start3A_46 = arith.constant 3 : i32
    %dma_start3A_47 = arith.constant 0 : i32
    %dma_start3A_48 = arith.constant 0 : i32
    %dma_start3A_49 = tpu.memref_slice %arg6[%rem3A_45, %dma_start3A_47, %dma_start3A_48] : memref<6x128x128xf32, #tpu.memory_space<vmem>> -> memref<1x128x128xf32, #tpu.memory_space<vmem>>
    %dma_start3A_50 = tpu.memref_squeeze %dma_start3A_49 : memref<1x128x128xf32, #tpu.memory_space<vmem>> -> memref<128x128xf32, #tpu.memory_space<vmem>>
    %dma_start3A_51 = arith.constant 0 : i32
    %dma_start3A_52 = tpu.memref_slice %arg5[%dma_start3A_46, %dma_start3A_51] : memref<80x128xi32, #tpu.memory_space<vmem>> -> memref<1x128xi32, #tpu.memory_space<vmem>>
    %dma_start3A_53 = tpu.memref_squeeze %dma_start3A_52 : memref<1x128xi32, #tpu.memory_space<vmem>> -> memref<128xi32, #tpu.memory_space<vmem>>
    %dma_start3A_54 = arith.constant 0 : i32
    %dma_start3A_55 = arith.constant 0 : i32
    %dma_start3A_56 = tpu.memref_slice %arg3[%dma_start3A_54, %dma_start3A_55] : memref<100000x128xf32, #tpu.memory_space<hbm>> -> memref<100000x128xf32, #tpu.memory_space<hbm>>
    tpu.enqueue_indirect_dma source(%dma_start3A_56 : memref<100000x128xf32, #tpu.memory_space<hbm>>) target(%dma_start3A_50 : memref<128x128xf32, #tpu.memory_space<vmem>>) offsets(%dma_start3A_53 : memref<128xi32, #tpu.memory_space<vmem>>) semaphore(%arg7 : memref<!tpu.dma_semaphore, #tpu.memory_space<semaphore_mem>>)
    %rem3A_57 = arith.constant 4 : i32
    %rem3A_58 = arith.constant 6 : i32
    %rem3A_59 = arith.remsi %rem3A_57, %rem3A_58 : i32
    %dma_start3A_60 = arith.constant 4 : i32
    %dma_start3A_61 = arith.constant 0 : i32
    %dma_start3A_62 = arith.constant 0 : i32
    %dma_start3A_63 = tpu.memref_slice %arg6[%rem3A_59, %dma_start3A_61, %dma_start3A_62] : memref<6x128x128xf32, #tpu.memory_space<vmem>> -> memref<1x128x128xf32, #tpu.memory_space<vmem>>
    %dma_start3A_64 = tpu.memref_squeeze %dma_start3A_63 : memref<1x128x128xf32, #tpu.memory_space<vmem>> -> memref<128x128xf32, #tpu.memory_space<vmem>>
    %dma_start3A_65 = arith.constant 0 : i32
    %dma_start3A_66 = tpu.memref_slice %arg5[%dma_start3A_60, %dma_start3A_65] : memref<80x128xi32, #tpu.memory_space<vmem>> -> memref<1x128xi32, #tpu.memory_space<vmem>>
    %dma_start3A_67 = tpu.memref_squeeze %dma_start3A_66 : memref<1x128xi32, #tpu.memory_space<vmem>> -> memref<128xi32, #tpu.memory_space<vmem>>
    %dma_start3A_68 = arith.constant 0 : i32
    %dma_start3A_69 = arith.constant 0 : i32
    %dma_start3A_70 = tpu.memref_slice %arg3[%dma_start3A_68, %dma_start3A_69] : memref<100000x128xf32, #tpu.memory_space<hbm>> -> memref<100000x128xf32, #tpu.memory_space<hbm>>
    tpu.enqueue_indirect_dma source(%dma_start3A_70 : memref<100000x128xf32, #tpu.memory_space<hbm>>) target(%dma_start3A_64 : memref<128x128xf32, #tpu.memory_space<vmem>>) offsets(%dma_start3A_67 : memref<128xi32, #tpu.memory_space<vmem>>) semaphore(%arg7 : memref<!tpu.dma_semaphore, #tpu.memory_space<semaphore_mem>>)
    %rem3A_71 = arith.constant 5 : i32
    %rem3A_72 = arith.constant 6 : i32
    %rem3A_73 = arith.remsi %rem3A_71, %rem3A_72 : i32
    %dma_start3A_74 = arith.constant 5 : i32
    %dma_start3A_75 = arith.constant 0 : i32
    %dma_start3A_76 = arith.constant 0 : i32
    %dma_start3A_77 = tpu.memref_slice %arg6[%rem3A_73, %dma_start3A_75, %dma_start3A_76] : memref<6x128x128xf32, #tpu.memory_space<vmem>> -> memref<1x128x128xf32, #tpu.memory_space<vmem>>
    %dma_start3A_78 = tpu.memref_squeeze %dma_start3A_77 : memref<1x128x128xf32, #tpu.memory_space<vmem>> -> memref<128x128xf32, #tpu.memory_space<vmem>>
    %dma_start3A_79 = arith.constant 0 : i32
    %dma_start3A_80 = tpu.memref_slice %arg5[%dma_start3A_74, %dma_start3A_79] : memref<80x128xi32, #tpu.memory_space<vmem>> -> memref<1x128xi32, #tpu.memory_space<vmem>>
    %dma_start3A_81 = tpu.memref_squeeze %dma_start3A_80 : memref<1x128xi32, #tpu.memory_space<vmem>> -> memref<128xi32, #tpu.memory_space<vmem>>
    %dma_start3A_82 = arith.constant 0 : i32
    %dma_start3A_83 = arith.constant 0 : i32
    %dma_start3A_84 = tpu.memref_slice %arg3[%dma_start3A_82, %dma_start3A_83] : memref<100000x128xf32, #tpu.memory_space<hbm>> -> memref<100000x128xf32, #tpu.memory_space<hbm>>
    tpu.enqueue_indirect_dma source(%dma_start3A_84 : memref<100000x128xf32, #tpu.memory_space<hbm>>) target(%dma_start3A_78 : memref<128x128xf32, #tpu.memory_space<vmem>>) offsets(%dma_start3A_81 : memref<128xi32, #tpu.memory_space<vmem>>) semaphore(%arg7 : memref<!tpu.dma_semaphore, #tpu.memory_space<semaphore_mem>>)
    %scan3A = arith.constant 0 : i32
    %scan3A_85 = arith.constant 0 : i32
    %scan3A_86 = arith.constant 40 : i32
    %scan3A_87 = arith.addi %scan3A_85, %scan3A_86 : i32
    %scan3A_88 = arith.constant 1 : i32
    scf.for %scan3A_115 = %scan3A_85 to %scan3A_87 step %scan3A_88  : i32 {
      %mul3A_116 = arith.constant 2 : i32
      %mul3A_117 = arith.muli %scan3A_115, %mul3A_116 : i32
      %add3A_118 = arith.constant 0 : i32
      %add3A_119 = arith.addi %mul3A_117, %add3A_118 : i32
      %rem3A_120 = arith.constant 6 : i32
      %rem3A_121 = arith.remsi %add3A_119, %rem3A_120 : i32
      %dma_wait3A_122 = arith.constant 0 : i32
      %dma_wait3A_123 = arith.constant 0 : i32
      %dma_wait3A_124 = tpu.memref_slice %arg6[%rem3A_121, %dma_wait3A_122, %dma_wait3A_123] : memref<6x128x128xf32, #tpu.memory_space<vmem>> -> memref<1x128x128xf32, #tpu.memory_space<vmem>>
      %dma_wait3A_125 = tpu.memref_squeeze %dma_wait3A_124 : memref<1x128x128xf32, #tpu.memory_space<vmem>> -> memref<128x128xf32, #tpu.memory_space<vmem>>
      %dma_wait3A_126 = arith.constant 0 : i32
      %dma_wait3A_127 = arith.constant 0 : i32
      %dma_wait3A_128 = tpu.memref_slice %arg3[%dma_wait3A_126, %dma_wait3A_127] : memref<100000x128xf32, #tpu.memory_space<hbm>> -> memref<128x128xf32, #tpu.memory_space<hbm>>
      %dma_wait3A_129 = arith.constant 0 : i32
      %dma_wait3A_130 = arith.constant 0 : i32
      %dma_wait3A_131 = tpu.memref_slice %arg6[%rem3A_121, %dma_wait3A_129, %dma_wait3A_130] : memref<6x128x128xf32, #tpu.memory_space<vmem>> -> memref<1x128x128xf32, #tpu.memory_space<vmem>>
      %dma_wait3A_132 = tpu.memref_squeeze %dma_wait3A_131 : memref<1x128x128xf32, #tpu.memory_space<vmem>> -> memref<128x128xf32, #tpu.memory_space<vmem>>
      %dma_wait3A_133 = arith.constant 0 : i32
      %dma_wait3A_134 = arith.constant 0 : i32
      %dma_wait3A_135 = tpu.memref_slice %arg3[%dma_wait3A_133, %dma_wait3A_134] : memref<100000x128xf32, #tpu.memory_space<hbm>> -> memref<128x128xf32, #tpu.memory_space<hbm>>
      tpu.wait_dma2 semaphore(%arg7 : memref<!tpu.dma_semaphore, #tpu.memory_space<semaphore_mem>>) src(%dma_wait3A_135 : memref<128x128xf32, #tpu.memory_space<hbm>>) dst(%dma_wait3A_132 : memref<128x128xf32, #tpu.memory_space<vmem>>)
      %mul3A_136 = arith.constant 128 : i32
      %mul3A_137 = arith.muli %add3A_119, %mul3A_136 : i32
      %add3A_138 = arith.addi %mul3A_2, %mul3A_137 : i32
      %dma_start3A_139 = arith.constant 0 : i32
      %dma_start3A_140 = arith.constant 0 : i32
      %dma_start3A_141 = tpu.memref_slice %arg6[%rem3A_121, %dma_start3A_139, %dma_start3A_140] : memref<6x128x128xf32, #tpu.memory_space<vmem>> -> memref<1x128x128xf32, #tpu.memory_space<vmem>>
      %dma_start3A_142 = tpu.memref_squeeze %dma_start3A_141 : memref<1x128x128xf32, #tpu.memory_space<vmem>> -> memref<128x128xf32, #tpu.memory_space<vmem>>
      %dma_start3A_143 = arith.constant 0 : i32
      %dma_start3A_144 = tpu.memref_slice %arg4[%add3A_138, %dma_start3A_143] : memref<327680x128xf32, #tpu.memory_space<hbm>> -> memref<128x128xf32, #tpu.memory_space<hbm>>
      %dma_start3A_145 = arith.constant 0 : i32
      %dma_start3A_146 = tpu.memref_slice %arg4[%add3A_138, %dma_start3A_145] : memref<327680x128xf32, #tpu.memory_space<hbm>> -> memref<128x128xf32, #tpu.memory_space<hbm>>
      %dma_start3A_147 = arith.constant 0 : i32
      %dma_start3A_148 = arith.constant 0 : i32
      %dma_start3A_149 = tpu.memref_slice %arg6[%rem3A_121, %dma_start3A_147, %dma_start3A_148] : memref<6x128x128xf32, #tpu.memory_space<vmem>> -> memref<1x128x128xf32, #tpu.memory_space<vmem>>
      %dma_start3A_150 = tpu.memref_squeeze %dma_start3A_149 : memref<1x128x128xf32, #tpu.memory_space<vmem>> -> memref<128x128xf32, #tpu.memory_space<vmem>>
      tpu.enqueue_dma source(%dma_start3A_150 : memref<128x128xf32, #tpu.memory_space<vmem>>) target(%dma_start3A_146 : memref<128x128xf32, #tpu.memory_space<hbm>>) target_semaphore(%arg8 : memref<!tpu.dma_semaphore, #tpu.memory_space<semaphore_mem>>)
      %mul3A_151 = arith.constant 2 : i32
      %mul3A_152 = arith.muli %scan3A_115, %mul3A_151 : i32
      %add3A_153 = arith.constant 1 : i32
      %add3A_154 = arith.addi %mul3A_152, %add3A_153 : i32
      %rem3A_155 = arith.constant 6 : i32
      %rem3A_156 = arith.remsi %add3A_154, %rem3A_155 : i32
      %dma_wait3A_157 = arith.constant 0 : i32
      %dma_wait3A_158 = arith.constant 0 : i32
      %dma_wait3A_159 = tpu.memref_slice %arg6[%rem3A_156, %dma_wait3A_157, %dma_wait3A_158] : memref<6x128x128xf32, #tpu.memory_space<vmem>> -> memref<1x128x128xf32, #tpu.memory_space<vmem>>
      %dma_wait3A_160 = tpu.memref_squeeze %dma_wait3A_159 : memref<1x128x128xf32, #tpu.memory_space<vmem>> -> memref<128x128xf32, #tpu.memory_space<vmem>>
      %dma_wait3A_161 = arith.constant 0 : i32
      %dma_wait3A_162 = arith.constant 0 : i32
      %dma_wait3A_163 = tpu.memref_slice %arg3[%dma_wait3A_161, %dma_wait3A_162] : memref<100000x128xf32, #tpu.memory_space<hbm>> -> memref<128x128xf32, #tpu.memory_space<hbm>>
      %dma_wait3A_164 = arith.constant 0 : i32
      %dma_wait3A_165 = arith.constant 0 : i32
      %dma_wait3A_166 = tpu.memref_slice %arg6[%rem3A_156, %dma_wait3A_164, %dma_wait3A_165] : memref<6x128x128xf32, #tpu.memory_space<vmem>> -> memref<1x128x128xf32, #tpu.memory_space<vmem>>
      %dma_wait3A_167 = tpu.memref_squeeze %dma_wait3A_166 : memref<1x128x128xf32, #tpu.memory_space<vmem>> -> memref<128x128xf32, #tpu.memory_space<vmem>>
      %dma_wait3A_168 = arith.constant 0 : i32
      %dma_wait3A_169 = arith.constant 0 : i32
      %dma_wait3A_170 = tpu.memref_slice %arg3[%dma_wait3A_168, %dma_wait3A_169] : memref<100000x128xf32, #tpu.memory_space<hbm>> -> memref<128x128xf32, #tpu.memory_space<hbm>>
      tpu.wait_dma2 semaphore(%arg7 : memref<!tpu.dma_semaphore, #tpu.memory_space<semaphore_mem>>) src(%dma_wait3A_170 : memref<128x128xf32, #tpu.memory_space<hbm>>) dst(%dma_wait3A_167 : memref<128x128xf32, #tpu.memory_space<vmem>>)
      %mul3A_171 = arith.constant 128 : i32
      %mul3A_172 = arith.muli %add3A_154, %mul3A_171 : i32
      %add3A_173 = arith.addi %mul3A_2, %mul3A_172 : i32
      %dma_start3A_174 = arith.constant 0 : i32
      %dma_start3A_175 = arith.constant 0 : i32
      %dma_start3A_176 = tpu.memref_slice %arg6[%rem3A_156, %dma_start3A_174, %dma_start3A_175] : memref<6x128x128xf32, #tpu.memory_space<vmem>> -> memref<1x128x128xf32, #tpu.memory_space<vmem>>
      %dma_start3A_177 = tpu.memref_squeeze %dma_start3A_176 : memref<1x128x128xf32, #tpu.memory_space<vmem>> -> memref<128x128xf32, #tpu.memory_space<vmem>>
      %dma_start3A_178 = arith.constant 0 : i32
      %dma_start3A_179 = tpu.memref_slice %arg4[%add3A_173, %dma_start3A_178] : memref<327680x128xf32, #tpu.memory_space<hbm>> -> memref<128x128xf32, #tpu.memory_space<hbm>>
      %dma_start3A_180 = arith.constant 0 : i32
      %dma_start3A_181 = tpu.memref_slice %arg4[%add3A_173, %dma_start3A_180] : memref<327680x128xf32, #tpu.memory_space<hbm>> -> memref<128x128xf32, #tpu.memory_space<hbm>>
      %dma_start3A_182 = arith.constant 0 : i32
      %dma_start3A_183 = arith.constant 0 : i32
      %dma_start3A_184 = tpu.memref_slice %arg6[%rem3A_156, %dma_start3A_182, %dma_start3A_183] : memref<6x128x128xf32, #tpu.memory_space<vmem>> -> memref<1x128x128xf32, #tpu.memory_space<vmem>>
      %dma_start3A_185 = tpu.memref_squeeze %dma_start3A_184 : memref<1x128x128xf32, #tpu.memory_space<vmem>> -> memref<128x128xf32, #tpu.memory_space<vmem>>
      tpu.enqueue_dma source(%dma_start3A_185 : memref<128x128xf32, #tpu.memory_space<vmem>>) target(%dma_start3A_181 : memref<128x128xf32, #tpu.memory_space<hbm>>) target_semaphore(%arg8 : memref<!tpu.dma_semaphore, #tpu.memory_space<semaphore_mem>>)
      %ge3A = arith.constant 1 : i32
      %ge3A_186 = arith.cmpi sge, %scan3A_115, %ge3A : i32
      %convert_element_type3A = arith.extui %ge3A_186 : i1 to i32
      %cond3A = arith.constant 0 : i32
      %cond3A_187 = arith.cmpi ne, %convert_element_type3A, %cond3A : i32
      scf.if %cond3A_187 {
        %dma_wait3A_196 = arith.constant 0 : i32
        %dma_wait3A_197 = arith.constant 0 : i32
        %dma_wait3A_198 = arith.constant 0 : i32
        %dma_wait3A_199 = tpu.memref_slice %arg6[%dma_wait3A_196, %dma_wait3A_197, %dma_wait3A_198] : memref<6x128x128xf32, #tpu.memory_space<vmem>> -> memref<1x128x128xf32, #tpu.memory_space<vmem>>
        %dma_wait3A_200 = tpu.memref_squeeze %dma_wait3A_199 : memref<1x128x128xf32, #tpu.memory_space<vmem>> -> memref<128x128xf32, #tpu.memory_space<vmem>>
        %dma_wait3A_201 = arith.constant 0 : i32
        %dma_wait3A_202 = tpu.memref_slice %arg4[%mul3A_2, %dma_wait3A_201] : memref<327680x128xf32, #tpu.memory_space<hbm>> -> memref<128x128xf32, #tpu.memory_space<hbm>>
        %dma_wait3A_203 = arith.constant 0 : i32
        %dma_wait3A_204 = tpu.memref_slice %arg4[%mul3A_2, %dma_wait3A_203] : memref<327680x128xf32, #tpu.memory_space<hbm>> -> memref<128x128xf32, #tpu.memory_space<hbm>>
        %dma_wait3A_205 = arith.constant 0 : i32
        %dma_wait3A_206 = arith.constant 0 : i32
        %dma_wait3A_207 = tpu.memref_slice %arg6[%dma_wait3A_196, %dma_wait3A_205, %dma_wait3A_206] : memref<6x128x128xf32, #tpu.memory_space<vmem>> -> memref<1x128x128xf32, #tpu.memory_space<vmem>>
        %dma_wait3A_208 = tpu.memref_squeeze %dma_wait3A_207 : memref<1x128x128xf32, #tpu.memory_space<vmem>> -> memref<128x128xf32, #tpu.memory_space<vmem>>
        tpu.wait_dma2 semaphore(%arg8 : memref<!tpu.dma_semaphore, #tpu.memory_space<semaphore_mem>>) src(%dma_wait3A_208 : memref<128x128xf32, #tpu.memory_space<vmem>>) dst(%dma_wait3A_204 : memref<128x128xf32, #tpu.memory_space<hbm>>)
        %dma_wait3A_209 = arith.constant 0 : i32
        %dma_wait3A_210 = arith.constant 0 : i32
        %dma_wait3A_211 = arith.constant 0 : i32
        %dma_wait3A_212 = tpu.memref_slice %arg6[%dma_wait3A_209, %dma_wait3A_210, %dma_wait3A_211] : memref<6x128x128xf32, #tpu.memory_space<vmem>> -> memref<1x128x128xf32, #tpu.memory_space<vmem>>
        %dma_wait3A_213 = tpu.memref_squeeze %dma_wait3A_212 : memref<1x128x128xf32, #tpu.memory_space<vmem>> -> memref<128x128xf32, #tpu.memory_space<vmem>>
        %dma_wait3A_214 = arith.constant 0 : i32
        %dma_wait3A_215 = tpu.memref_slice %arg4[%mul3A_2, %dma_wait3A_214] : memref<327680x128xf32, #tpu.memory_space<hbm>> -> memref<128x128xf32, #tpu.memory_space<hbm>>
        %dma_wait3A_216 = arith.constant 0 : i32
        %dma_wait3A_217 = tpu.memref_slice %arg4[%mul3A_2, %dma_wait3A_216] : memref<327680x128xf32, #tpu.memory_space<hbm>> -> memref<128x128xf32, #tpu.memory_space<hbm>>
        %dma_wait3A_218 = arith.constant 0 : i32
        %dma_wait3A_219 = arith.constant 0 : i32
        %dma_wait3A_220 = tpu.memref_slice %arg6[%dma_wait3A_209, %dma_wait3A_218, %dma_wait3A_219] : memref<6x128x128xf32, #tpu.memory_space<vmem>> -> memref<1x128x128xf32, #tpu.memory_space<vmem>>
        %dma_wait3A_221 = tpu.memref_squeeze %dma_wait3A_220 : memref<1x128x128xf32, #tpu.memory_space<vmem>> -> memref<128x128xf32, #tpu.memory_space<vmem>>
        tpu.wait_dma2 semaphore(%arg8 : memref<!tpu.dma_semaphore, #tpu.memory_space<semaphore_mem>>) src(%dma_wait3A_221 : memref<128x128xf32, #tpu.memory_space<vmem>>) dst(%dma_wait3A_217 : memref<128x128xf32, #tpu.memory_space<hbm>>)
      } else {
      }
      %ge3A_188 = arith.constant 1 : i32
      %ge3A_189 = arith.cmpi sge, %scan3A_115, %ge3A_188 : i32
      %add3A_190 = arith.constant 2 : i32
      %add3A_191 = arith.addi %scan3A_115, %add3A_190 : i32
      %lt3A = arith.constant 40 : i32
      %lt3A_192 = arith.cmpi slt, %add3A_191, %lt3A : i32
      %and3A = arith.andi %ge3A_189, %lt3A_192 : i1
      %convert_element_type3A_193 = arith.extui %and3A : i1 to i32
      %cond3A_194 = arith.constant 0 : i32
      %cond3A_195 = arith.cmpi ne, %convert_element_type3A_193, %cond3A_194 : i32
      scf.if %cond3A_195 {
        %add3A_196 = arith.constant 2 : i32
        %add3A_197 = arith.addi %scan3A_115, %add3A_196 : i32
        %mul3A_198 = arith.constant 2 : i32
        %mul3A_199 = arith.muli %add3A_197, %mul3A_198 : i32
        %add3A_200 = arith.constant 0 : i32
        %add3A_201 = arith.addi %mul3A_199, %add3A_200 : i32
        %rem3A_202 = arith.constant 6 : i32
        %rem3A_203 = arith.remsi %add3A_201, %rem3A_202 : i32
        %dma_start3A_204 = arith.constant 0 : i32
        %dma_start3A_205 = arith.constant 0 : i32
        %dma_start3A_206 = tpu.memref_slice %arg6[%rem3A_203, %dma_start3A_204, %dma_start3A_205] : memref<6x128x128xf32, #tpu.memory_space<vmem>> -> memref<1x128x128xf32, #tpu.memory_space<vmem>>
        %dma_start3A_207 = tpu.memref_squeeze %dma_start3A_206 : memref<1x128x128xf32, #tpu.memory_space<vmem>> -> memref<128x128xf32, #tpu.memory_space<vmem>>
        %dma_start3A_208 = arith.constant 0 : i32
        %dma_start3A_209 = tpu.memref_slice %arg5[%add3A_201, %dma_start3A_208] : memref<80x128xi32, #tpu.memory_space<vmem>> -> memref<1x128xi32, #tpu.memory_space<vmem>>
        %dma_start3A_210 = tpu.memref_squeeze %dma_start3A_209 : memref<1x128xi32, #tpu.memory_space<vmem>> -> memref<128xi32, #tpu.memory_space<vmem>>
        %dma_start3A_211 = arith.constant 0 : i32
        %dma_start3A_212 = arith.constant 0 : i32
        %dma_start3A_213 = tpu.memref_slice %arg3[%dma_start3A_211, %dma_start3A_212] : memref<100000x128xf32, #tpu.memory_space<hbm>> -> memref<100000x128xf32, #tpu.memory_space<hbm>>
        tpu.enqueue_indirect_dma source(%dma_start3A_213 : memref<100000x128xf32, #tpu.memory_space<hbm>>) target(%dma_start3A_207 : memref<128x128xf32, #tpu.memory_space<vmem>>) offsets(%dma_start3A_210 : memref<128xi32, #tpu.memory_space<vmem>>) semaphore(%arg7 : memref<!tpu.dma_semaphore, #tpu.memory_space<semaphore_mem>>)
        %add3A_214 = arith.constant 2 : i32
        %add3A_215 = arith.addi %scan3A_115, %add3A_214 : i32
        %mul3A_216 = arith.constant 2 : i32
        %mul3A_217 = arith.muli %add3A_215, %mul3A_216 : i32
        %add3A_218 = arith.constant 1 : i32
        %add3A_219 = arith.addi %mul3A_217, %add3A_218 : i32
        %rem3A_220 = arith.constant 6 : i32
        %rem3A_221 = arith.remsi %add3A_219, %rem3A_220 : i32
        %dma_start3A_222 = arith.constant 0 : i32
        %dma_start3A_223 = arith.constant 0 : i32
        %dma_start3A_224 = tpu.memref_slice %arg6[%rem3A_221, %dma_start3A_222, %dma_start3A_223] : memref<6x128x128xf32, #tpu.memory_space<vmem>> -> memref<1x128x128xf32, #tpu.memory_space<vmem>>
        %dma_start3A_225 = tpu.memref_squeeze %dma_start3A_224 : memref<1x128x128xf32, #tpu.memory_space<vmem>> -> memref<128x128xf32, #tpu.memory_space<vmem>>
        %dma_start3A_226 = arith.constant 0 : i32
        %dma_start3A_227 = tpu.memref_slice %arg5[%add3A_219, %dma_start3A_226] : memref<80x128xi32, #tpu.memory_space<vmem>> -> memref<1x128xi32, #tpu.memory_space<vmem>>
        %dma_start3A_228 = tpu.memref_squeeze %dma_start3A_227 : memref<1x128xi32, #tpu.memory_space<vmem>> -> memref<128xi32, #tpu.memory_space<vmem>>
        %dma_start3A_229 = arith.constant 0 : i32
        %dma_start3A_230 = arith.constant 0 : i32
        %dma_start3A_231 = tpu.memref_slice %arg3[%dma_start3A_229, %dma_start3A_230] : memref<100000x128xf32, #tpu.memory_space<hbm>> -> memref<100000x128xf32, #tpu.memory_space<hbm>>
        tpu.enqueue_indirect_dma source(%dma_start3A_231 : memref<100000x128xf32, #tpu.memory_space<hbm>>) target(%dma_start3A_225 : memref<128x128xf32, #tpu.memory_space<vmem>>) offsets(%dma_start3A_228 : memref<128xi32, #tpu.memory_space<vmem>>) semaphore(%arg7 : memref<!tpu.dma_semaphore, #tpu.memory_space<semaphore_mem>>)
      } else {
      }
    }
    %scan3A_89 = arith.constant 40 : i32
    %dma_wait3A = arith.constant 0 : i32
    %dma_wait3A_90 = arith.constant 0 : i32
    %dma_wait3A_91 = arith.constant 0 : i32
    %dma_wait3A_92 = tpu.memref_slice %arg6[%dma_wait3A, %dma_wait3A_90, %dma_wait3A_91] : memref<6x128x128xf32, #tpu.memory_space<vmem>> -> memref<1x128x128xf32, #tpu.memory_space<vmem>>
    %dma_wait3A_93 = tpu.memref_squeeze %dma_wait3A_92 : memref<1x128x128xf32, #tpu.memory_space<vmem>> -> memref<128x128xf32, #tpu.memory_space<vmem>>
    %dma_wait3A_94 = arith.constant 0 : i32
    %dma_wait3A_95 = tpu.memref_slice %arg4[%mul3A_2, %dma_wait3A_94] : memref<327680x128xf32, #tpu.memory_space<hbm>> -> memref<128x128xf32, #tpu.memory_space<hbm>>
    %dma_wait3A_96 = arith.constant 0 : i32
    %dma_wait3A_97 = tpu.memref_slice %arg4[%mul3A_2, %dma_wait3A_96] : memref<327680x128xf32, #tpu.memory_space<hbm>> -> memref<128x128xf32, #tpu.memory_space<hbm>>
    %dma_wait3A_98 = arith.constant 0 : i32
    %dma_wait3A_99 = arith.constant 0 : i32
    %dma_wait3A_100 = tpu.memref_slice %arg6[%dma_wait3A, %dma_wait3A_98, %dma_wait3A_99] : memref<6x128x128xf32, #tpu.memory_space<vmem>> -> memref<1x128x128xf32, #tpu.memory_space<vmem>>
    %dma_wait3A_101 = tpu.memref_squeeze %dma_wait3A_100 : memref<1x128x128xf32, #tpu.memory_space<vmem>> -> memref<128x128xf32, #tpu.memory_space<vmem>>
    tpu.wait_dma2 semaphore(%arg8 : memref<!tpu.dma_semaphore, #tpu.memory_space<semaphore_mem>>) src(%dma_wait3A_101 : memref<128x128xf32, #tpu.memory_space<vmem>>) dst(%dma_wait3A_97 : memref<128x128xf32, #tpu.memory_space<hbm>>)
    %dma_wait3A_102 = arith.constant 0 : i32
    %dma_wait3A_103 = arith.constant 0 : i32
    %dma_wait3A_104 = arith.constant 0 : i32
    %dma_wait3A_105 = tpu.memref_slice %arg6[%dma_wait3A_102, %dma_wait3A_103, %dma_wait3A_104] : memref<6x128x128xf32, #tpu.memory_space<vmem>> -> memref<1x128x128xf32, #tpu.memory_space<vmem>>
    %dma_wait3A_106 = tpu.memref_squeeze %dma_wait3A_105 : memref<1x128x128xf32, #tpu.memory_space<vmem>> -> memref<128x128xf32, #tpu.memory_space<vmem>>
    %dma_wait3A_107 = arith.constant 0 : i32
    %dma_wait3A_108 = tpu.memref_slice %arg4[%mul3A_2, %dma_wait3A_107] : memref<327680x128xf32, #tpu.memory_space<hbm>> -> memref<128x128xf32, #tpu.memory_space<hbm>>
    %dma_wait3A_109 = arith.constant 0 : i32
    %dma_wait3A_110 = tpu.memref_slice %arg4[%mul3A_2, %dma_wait3A_109] : memref<327680x128xf32, #tpu.memory_space<hbm>> -> memref<128x128xf32, #tpu.memory_space<hbm>>
    %dma_wait3A_111 = arith.constant 0 : i32
    %dma_wait3A_112 = arith.constant 0 : i32
    %dma_wait3A_113 = tpu.memref_slice %arg6[%dma_wait3A_102, %dma_wait3A_111, %dma_wait3A_112] : memref<6x128x128xf32, #tpu.memory_space<vmem>> -> memref<1x128x128xf32, #tpu.memory_space<vmem>>
    %dma_wait3A_114 = tpu.memref_squeeze %dma_wait3A_113 : memref<1x128x128xf32, #tpu.memory_space<vmem>> -> memref<128x128xf32, #tpu.memory_space<vmem>>
    tpu.wait_dma2 semaphore(%arg8 : memref<!tpu.dma_semaphore, #tpu.memory_space<semaphore_mem>>) src(%dma_wait3A_114 : memref<128x128xf32, #tpu.memory_space<vmem>>) dst(%dma_wait3A_110 : memref<128x128xf32, #tpu.memory_space<hbm>>)
    return
  }
}

</mosaic_0001>

<sc_bundles>
// kernel: kernel.3.cloned.1.call-start
scs
__scs_entry_jumppad:
0x0: {  	(pc) =	sbr.rel $0x88, $3  }
0x1: {  	(tag) =	ssettag $0x0;
	lr =	simm.s32 $0x1  }
0x2: {  	[smem:$0x3F9F] =	sst lr;
	_ =	strace $0xD0000000  }
0x3: {  	_ = 	snop  }
0x4: {  	_ = 	snop  }
0x5: {  	_ = 	snop  }
0x6: {  	_ = 	snop  }
0x7: {  	_ = 	snop  }
__scs_overlays_trampoline_lowered:
0x8: {  	[smem:$0x3FAE] =	sst s0  }
0x9: {  	[smem:$0x3FAF] =	sst s1  }
0xa: {  	[smem:$0x3FB0] =	sst s2  }
0xb: {  	[smem:$0x3FB1] =	sst s3  }
0xc: {  	[smem:$0x3FB2] =	sst s4  }
0xd: {  	[smem:$0x3FB3] =	sst s5  }
0xe: {  	[smem:$0x3FB4] =	sst s6  }
0xf: {  	[smem:$0x3FB5] =	sst s7  }
0x10: {  	[smem:$0x3FB6] =	sst s8  }
0x11: {  	[smem:$0x3FB7] =	sst s9;
	s0 =	simm.s32 @!p0 $0x0  }
0x12: {  	s1 =	sld [smem:$0x3F9D];
	s0 =	simm.s32 @p0 $0x1  }
0x13: {  	[smem:$0x3FB8] =	sst s0;
	s0 =	simm.s32 @!p1 $0x0  }
0x14: {  	s2 =	sld [smem:$0x3F9C];
	s0 =	simm.s32 @p1 $0x1  }
0x15: {  	[smem:$0x3FB9] =	sst s0;
	s0 =	simm.s32 @!p2 $0x0  }
0x16: {  	s3 =	sld [smem:$0x3FDB];
	s0 =	simm.s32 @p2 $0x1  }
0x17: {  	s4 =	simm.s32 $0x1BF5;
	[smem:$0x3FBB] =	sst s0  }
0x18: {  	s0 =	sld [smem:$0x3F9E];
	_ =	swait.ge [sflag:s4], $0x0  }
0x19: {  	s7 =	sld [smem:$0x3F9F]  }
0x1a: {  	s8 =	sadd.s32 $0xFFFFE003, lr  }
0x1b: {  	s9 =	sadd.s32 $0xFFFFFEF7, lr;
	s5 =	simm.s32 $0xFFFFFFFF;
	p2 =	slt.u32 s8, $0xFFFFF086  }
0x1c: {  	p1 =	slt.u32 s9, $0xF7A;
	s5 =	simm.s32 @!p2 $0x0  }
0x1d: {  	s5 =	simm.s32 @p1 $0x1;
	p0 =	seq.s32 s7, s2  }
0x1e: {  	s7 =	smul.u32 @!p0 $0xF7A, s2;
	p2 =	seq.s32 @!p0 s5, $0x0  }
0x1f: {  	s9 =	smul.u32 $0xF7A, s1;
	s8 =	simm.s32 @!p0 $0x1BF5;
	p2 =	por !p2, p0  }
0x20: {  	[sflag:s8] =	ssyncset.s32 @!p0 $0xFFFFF086;
	s6 =	sadd.s32 @!p0 s3, s7;
	s7 =	simm.s32 @!p0 $0x108  }
0x21: {  	s3 =	sadd.s32 s3, s9;
	s6 =	sadd.s32 @!p0 $0x88, s6;
	s7 =	simm.s32 @p2 $0x1082  }
0x22: {  	[simem:s7], [sflag:s8] =	dma.local @!p0 [hbm:s6], $0xF7A  }
0x23: {  	s9 =	sor.u32 $0xD0000000, s2;
	s6 =	simm.s32 $0x108;
	_ =	swait.ge @!p0 [sflag:s8], $0x0  }
0x24: {  	s3 =	sadd.s32 $0x88, s3;
	s6 =	simm.s32 @!p1 $0x1082;
	[sflag:s4] =	ssyncset.s32 $0xFFFFF086  }
0x25: {  	[simem:s6], [sflag:s4] =	dma.local [hbm:s3], $0xF7A  }
0x26: {  	[smem:$0x3F9F] =	sst s1;
	(tag) =	ssettag s2;
	_ =	strace s9  }
0x27: {  	s1 =	sld [smem:$0x3FAF]  }
0x28: {  	s2 =	sld [smem:$0x3FB0]  }
0x29: {  	s4 =	sld [smem:$0x3FB2]  }
0x2a: {  	p0 =	seq.s32 s5, $0x0;
	s5 =	sld [smem:$0x3FB3]  }
0x2b: {  	s6 =	sld [smem:$0x3FB4]  }
0x2c: {  	s7 =	sld [smem:$0x3FB5]  }
0x2d: {  	s3 =	simm.s32 $0x108;
	s8 =	sld [smem:$0x3FB6]  }
0x2e: {  	s3 =	simm.s32 @!p0 $0x1082;
	s9 =	sld [smem:$0x3FB7]  }
0x2f: {  	lr =	sadd.s32 s0, s3;
	s0 =	sld [smem:$0x3FAE]  }
0x30: {  	s3 =	sld [smem:$0x3FB1]  }
0x31: {  	[smem:$0x3FBA] =	sst s10  }
0x32: {  	s10 =	sld [smem:$0x3FB8];
	_ =	sdelay $0x3  }
0x33: {  	p0 =	seq.s32 s10, $0x1;
	s10 =	sld [smem:$0x3FBA];
	_ =	sdelay $0x3  }
0x34: {  	[smem:$0x3FBA] =	sst s10  }
0x35: {  	s10 =	sld [smem:$0x3FB9];
	_ =	sdelay $0x3  }
0x36: {  	p1 =	seq.s32 s10, $0x1;
	s10 =	sld [smem:$0x3FBA];
	_ =	sdelay $0x3  }
0x37: {  	[smem:$0x3FBA] =	sst s10  }
0x38: {  	s10 =	sld [smem:$0x3FBB]  }
0x39: {  	_ = 	snop;
	(pc) =	sbr.ind lr, $3  }
0x3a: {  	_ = 	snop  }
0x3b: {  	_ = 	snop  }
0x3c: {  	p2 =	seq.s32 s10, $0x1;
	s10 =	sld [smem:$0x3FBA]  }
0x3d: {  	_ =	shalt  }
0x3e: {  	_ =	shalt  }
0x3f: {  	_ =	shalt  }
0x40: {  	_ =	shalt  }
0x41: {  	_ =	shalt  }
0x42: {  	_ =	shalt  }
0x43: {  	_ =	shalt  }
0x44: {  	_ =	shalt  }
0x45: {  	_ =	shalt  }
0x46: {  	_ =	shalt  }
0x47: {  	_ =	shalt  }
0x48: {  	_ =	shalt  }
0x49: {  	_ =	shalt  }
0x4a: {  	_ =	shalt  }
0x4b: {  	_ =	shalt  }
0x4c: {  	_ =	shalt  }
0x4d: {  	_ =	shalt  }
0x4e: {  	_ =	shalt  }
0x4f: {  	_ =	shalt  }
0x50: {  	_ =	shalt  }
0x51: {  	_ =	shalt  }
0x52: {  	_ =	shalt  }
0x53: {  	_ =	shalt  }
0x54: {  	_ =	shalt  }
0x55: {  	_ =	shalt  }
0x56: {  	_ =	shalt  }
0x57: {  	_ =	shalt  }
0x58: {  	_ =	shalt  }
0x59: {  	_ =	shalt  }
0x5a: {  	_ =	shalt  }
0x5b: {  	_ =	shalt  }
0x5c: {  	_ =	shalt  }
0x5d: {  	_ =	shalt  }
0x5e: {  	_ =	shalt  }
0x5f: {  	_ =	shalt  }
0x60: {  	_ =	shalt  }
0x61: {  	_ =	shalt  }
0x62: {  	_ =	shalt  }
0x63: {  	_ =	shalt  }
0x64: {  	_ =	shalt  }
0x65: {  	_ =	shalt  }
0x66: {  	_ =	shalt  }
0x67: {  	_ =	shalt  }
0x68: {  	_ =	shalt  }
0x69: {  	_ =	shalt  }
0x6a: {  	_ =	shalt  }
0x6b: {  	_ =	shalt  }
0x6c: {  	_ =	shalt  }
0x6d: {  	_ =	shalt  }
0x6e: {  	_ =	shalt  }
0x6f: {  	_ =	shalt  }
0x70: {  	_ =	shalt  }
0x71: {  	_ =	shalt  }
0x72: {  	_ =	shalt  }
0x73: {  	_ =	shalt  }
0x74: {  	_ =	shalt  }
0x75: {  	_ =	shalt  }
0x76: {  	_ =	shalt  }
0x77: {  	_ =	shalt  }
0x78: {  	_ =	shalt  }
0x79: {  	_ =	shalt  }
0x7a: {  	_ =	shalt  }
0x7b: {  	_ =	shalt  }
0x7c: {  	_ =	shalt  }
0x7d: {  	_ =	shalt  }
0x7e: {  	_ =	shalt  }
0x7f: {  	_ =	shalt  }
0x80: {  	_ =	shalt  }
0x81: {  	_ =	shalt  }
0x82: {  	_ =	shalt  }
0x83: {  	_ =	shalt  }
0x84: {  	_ =	shalt  }
0x85: {  	_ =	shalt  }
0x86: {  	_ =	shalt  }
0x87: {  	_ =	shalt  }
.Lfunc_end0:
.L_simem_size_0:
called_computation_lowered:
.L_overlay_start_0:
0x88: {  	s2 =	sld [smem:$0x3FD9]  }
0x89: {  	s3 =	sld [smem:$0x3FFE];
	_ =	sdelay $0x1  }
0x8a: {  	s1 =	srdreg.scid  }
0x8b: {  	s0 =	sand.u32 $0x1, s1  }
0x8c: {  	s17 =	sshll.u32 s0, $0xA;
	s2 =	sadd.s32 s3, s2  }
0x8d: {  	s2 =	sadd.s32 s2, s17  }
0x8e: {  	[smem:$0x3FC6] =	sst s2  }
0x8f: {  	_ = 	snop  }
0x90: {  	s2 =	sld [smem:$0x3FC8]  }
0x91: {  	s18 =	sld [smem:$0x3FD0];
	(tm) =	ssettm $0x1  }
0x92: {  	s4 =	sld [smem:$0x3FFB];
	_ =	sdelay $0x3  }
0x93: {  	_ =	strace s4  }
0x94: {  	s4 =	sld [smem:$0x3FFC];
	_ =	sdelay $0x3  }
0x95: {  	_ =	strace s4  }
0x96: {  	s4 =	sld [smem:$0x3FFD];
	_ =	sdelay $0x3  }
0x97: {  	_ =	strace s4  }
0x98: {  	_ =	strace $0x8FFFFFFF  }
0x99: {  	s19 =	sld [smem:$0x3FDB];
	_ =	sdelay $0x1  }
0x9a: {  	s5 =	simm.s32 $_scs_section_size  }
0x9b: {  	s6 =	simm.s32 $_size__tile_overlayer_lowered;
	s7 =	simm.s32 $_tile_overlayer_lowered  }
0x9c: {  	s22 =	simm.s32 $0x1BFF;
	s21 =	sshll.u32 s7, $0x1;
	s4 =	sadd.s32 s5, s19  }
0x9d: {  	s8 =	simm.s32 $0x0;
	s20 =	sshll.u32 s6, $0x1;
	s6 =	sadd.s32 s21, s4  }
0x9e: {  	[timem:s8], [sflag:s22] =	dma.local [hbm:s6], s20  }
0x9f: {  	_ =	swait.ge [sflag:s22], s20  }
0xa0: {  	s5 =	ssub.s32 $0x0, s20;
	[sflag:s22] =	ssyncset.done $0x0  }
0xa1: {  	[sflag:s22] =	ssyncadd.s32 s5;
	_ =	sdelay $0x1  }
0xa2: {  	s23 =	simm.s32 $0x1B8B  }
0xa3: {  	_ =	swait.ge [sflag:s23], $0x1  }
0xa4: {  	[sflag:s23] =	ssyncset.done $0x0  }
0xa5: {  	s25 =	simm.s32 $0x1B8E;
	s24 =	sld [smem:$0x3FFE];
	[sflag:s23] =	ssyncadd.s32 $0xFFFFFFFF  }
0xa6: {  	s26 =	simm.s32 $execute0_lowered;
	[smem:$0x3FD2] =	sst s25  }
0xa7: {  	s6 =	sshll.u32 s26, $0x1;
	_ =	strace $0x80000046;
	[dreg:$0x1] =	wrdreg $0xFFFFFFFF  }
0xa8: {  	s28 =	simm.s32 $_size_execute0_lowered;
	s4 =	sadd.s32 s4, s6;
	[dreg:$0x0] =	wrdreg $0x0  }
0xa9: {  	s6 =	sshll.u32 s28, $0x1;
	[dreg:$0x2] =	wrdreg s4  }
0xaa: {  	[dreg:$0x3] =	wrdreg s6  }
0xab: {  	[dreg:$0x4] =	wrdreg $0xC0  }
0xac: {  	_ =	task [dreg:s8], $0x5FFFF  }
0xad: {  	[dreg:$0x1] =	wrdreg $0xFFFFFFFF  }
0xae: {  	[dreg:$0x0] =	wrdreg $0x60  }
0xaf: {  	[dreg:$0x2] =	wrdreg s24  }
0xb0: {  	[dreg:$0x3] =	wrdreg s2  }
0xb1: {  	[dreg:$0x4] =	wrdreg s18  }
0xb2: {  	[dreg:$0x5] =	wrdreg $0x9  }
0xb3: {  	_ =	task.clear_ibuf [dreg:s8], $0x6FFFF;
	_ =	strace $0x90000046  }
0xb4: {  	s29 =	simm.s32 $0x9;
	_ =	strace $0x80000048  }
0xb5: {  	_ =	swait.ge [sflag:s29], $0x1  }
0xb6: {  	[sflag:s29] =	ssyncadd.s32 $0xFFFFFFFF  }
0xb7: {  	_ =	strace $0x90000048  }
0xb8: {  	_ =	sfence  }
0xb9: {  	s30 =	sld [smem:$0x0];
	_ =	sdelay $0x2  }
0xba: {  	s31 =	sshll.u32 s1, $0xD;
	s1 =	sshrl.u32 s1, $0x2  }
0xbb: {  	s3 =	sand.u32 $0x4000, s31;
	s1 =	sadd.s32 s1, s30  }
0xbc: {  	s0 =	sor.u32 s3, s0;
	s1 =	sshll.u32 s1, $0x11  }
0xbd: {  	s0 =	sor.u32 s1, s0  }
0xbe: {  	s0 =	sadd.s32 $0x8F2B, s0  }
0xbf: {  	[sflag:s0] =	ssyncadd.remote.s32 $0x1  }
0xc0: {  	_ =	sfence.sel $0xFFFF  }
0xc1: {  	[dreg:$0x0] =	wrdreg $0xFFFFFFFF;
	(pc) =	sbr.abs _section_cstart, $3  }
0xc2: {  	[dreg:$0x1] =	wrdreg $0xFFFFFFFF  }
0xc3: {  	_ =	task.clear_ibuf [dreg:s8], $0x2FFFF;
	_ =	strace $0x9FFFFFFF  }
0xc4: {  	(tm) =	ssettm $0x7FFFFFFF  }
0xc5: {  	_ =	shalt  }
tec
execute0_lowered:
.L_overlay_start_1:
0x0: {  	(tag) =	ssettag $0x1  }
0x1: {  	s4 =	rddreg [dreg:$0x0]  }
0x2: {  	s1 =	srdreg.scid;
	s2 =	rddreg [dreg:$0x1]  }
0x3: {  	s0 =	stileid.u32;
	s7 =	rddreg [dreg:$0x2];
	s11 =	simm.s32 $0x6800  }
0x4: {  	s12 =	simm.s32 $0x100;
	s13 =	simm.s32 $0xA800;
	s14 =	simm.s32 $0x180  }
0x5: {  	s15 =	simm.s32 $0xE800;
	s16 =	simm.s32 $0x200;
	s17 =	simm.s32 $0x12800  }
0x6: {  	s18 =	simm.s32 $0x16800;
	s19 =	simm.s32 $0x1;
	s20 =	simm.s32 $0x2  }
0x7: {  	s1 =	sand.u32 $0x1, s1;
	s3 =	sshll.u32 s0, $0x1;
	s6 =	smul.u32 $0x280000, s0  }
0x8: {  	s3 =	sor.u32 s1, s3;
	s8 =	ssub.s32 $0x2, s1;
	s1 =	smul.u32 $0x140000, s1  }
0x9: {  	s5 =	smul.u32 $0x500, s3;
	s3 =	simm.s32 $0x0;
	s9 =	sshrl.u32 s8, $0x1  }
0xa: {  	s21 =	simm.s32 $0x0;
	[smem:$0x7FF] =	sst s3;
	s31 =	ssub.s32 s8, s9  }
0xb: {  	s1 =	sadd.s32 s1, s6;
	s8 =	simm.s32 $0x3;
	s9 =	simm.s32 $0x80  }
0xc: {  	_ =	strace $0x80000047;
	s6 =	sshrl.u32 s1, $0x3;
	s1 =	sor.u32 $0x4000, s1  }
0xd: {  	s4 =	sadd.s32 s5, s4;
	s5 =	smax.u32 s31, $0x1;
	s1 =	sshrl.u32 s1, $0x3  }
0xe: {  	s4 =	sadd.s32 $0x400, s4;
	s6 =	sadd.s32 s6, s7;
	s7 =	sadd.s32 s1, s7  }
.LBB2_1:
0xf: {  	[tilespmem:s3], [sflag:$0x3] =	stream.linear.gather [hbm4b:s4+s3], $0x2800, $0x38;
	[tilespmem:$0x1A800] =	vst v63  }
0x10: {  	s0 =	simm.s32 $0x2800;
	s1 =	simm.s32 $0x5  }
0x11: {  	p1 =	por $0x1, $0x1;
	_ =	swait.ge [sflag:s8], $0x2800;
	s23 =	smul.u32 $0xAB, s1  }
0x12: {  	s22 =	simm.s32 $0x280;
	p0 =	por @!p1 $0x0, $0x0;
	[sflag:s8] =	ssyncset.done $0x0  }
0x13: {  	p0 =	por p0, p1;
	[sflag:s8] =	ssyncadd.s32 $0xFFFFD800;
	s24 =	sadd.s32 $0xFFFFFCA9, s23  }
0x14: {  	[tilespmem:s0], [sflag:$0x1] =	stream.indirect.gather [hbm4b:s2+s9], $0x80, s3, s9, $0xb8;
	[tilespmem:$0x1A800] =	vst v63  }
0x15: {  	s23 =	sadd.s32 $0xFFFFFD54, s23;
	s1 =	smul.u32 @!p0 $0xAB, s1;
	s24 =	sshrl.u32 s24, $0xA  }
0x16: {  	[tilespmem:s11], [sflag:$0x1] =	stream.indirect.gather [hbm4b:s2+s9], $0x80, s9, s9, $0xb8;
	[tilespmem:$0x1A800] =	vst v63  }
0x17: {  	s31 =	simm.s32 @!p0 $0x200;
	s23 =	sshrl.u32 s23, $0xA;
	s24 =	sand.u32 $0x3F, s24  }
0x18: {  	[tilespmem:s13], [sflag:$0x1] =	stream.indirect.gather [hbm4b:s2+s9], $0x80, s12, s9, $0xb8;
	[tilespmem:$0x1A800] =	vst v63  }
0x19: {  	s25 =	sand.u32 $0x3F, s23;
	s23 =	simm.s32 $0x7;
	s26 =	smul.u32 $0x6, s24  }
0x1a: {  	[tilespmem:s15], [sflag:$0x1] =	stream.indirect.gather [hbm4b:s2+s9], $0x80, s14, s9, $0xb8;
	[tilespmem:$0x1A800] =	vst v63  }
0x1b: {  	s30 =	sadd.s32 @!p0 $0xFFFFFF55, s1;
	s1 =	sshrl.u32 @!p0 s1, $0xA;
	s26 =	ssub.s32 $0x5, s26  }
0x1c: {  	[tilespmem:s17], [sflag:$0x1] =	stream.indirect.gather [hbm4b:s2+s9], $0x80, s16, s9, $0xb8;
	[tilespmem:$0x1A800] =	vst v63  }
0x1d: {  	s25 =	smul.u32 $0x6, s25;
	s30 =	sshrl.u32 @!p0 s30, $0xA;
	s26 =	sadd.s32 $0xFFFFFFFB, s26  }
0x1e: {  	[tilespmem:s18], [sflag:$0x1] =	stream.indirect.gather [hbm4b:s2+s9], $0x80, s22, s9, $0xb8;
	[tilespmem:$0x1A800] =	vst v63  }
0x1f: {  	s1 =	sand.u32 @!p0 $0x3F, s1;
	s26 =	sand.u32 $0xFF, s26;
	_ =	swait.ge [sflag:s19], $0x4000  }
0x20: {  	s25 =	ssub.s32 $0x5, s25;
	s26 =	sshll.u32 s26, $0xE;
	[sflag:s19] =	ssyncset.done $0x0  }
0x21: {  	s25 =	sadd.s32 $0xFFFFFFFC, s25;
	s28 =	sor.u32 $0x2800, s26;
	[sflag:s19] =	ssyncadd.s32 $0xFFFFC000  }
0x22: {  	[hbm4b:s6+s3] =	stream.linear.scatter [tilespmem:s28], [sflag:$0x2], $0x4000, $0x38;
	[tilespmem:$0x1A800] =	vst v63  }
0x23: {  	s30 =	sand.u32 @!p0 $0x3F, s30;
	s25 =	sand.u32 $0xFF, s25;
	_ =	swait.ge [sflag:s19], $0x4000  }
0x24: {  	s1 =	smul.u32 @!p0 $0x6, s1;
	s29 =	sshll.u32 s25, $0xE;
	[sflag:s19] =	ssyncset.done $0x0  }
0x25: {  	s29 =	sor.u32 $0x2800, s29;
	s28 =	simm.s32 @!p1 $0x2;
	[sflag:s19] =	ssyncadd.s32 $0xFFFFC000  }
0x26: {  	[hbm4b:s7+s3] =	stream.linear.scatter [tilespmem:s29], [sflag:$0x2], $0x4000, $0x38;
	[tilespmem:$0x1A800] =	vst v63  }
0x27: {  	s1 =	ssub.s32 @!p0 $0x5, s1;
	s29 =	smul.u32 @!p0 $0x6, s30;
	_ =	swait.ge @!p1 [sflag:s28], $0x4000  }
0x28: {  	s24 =	sadd.s32 $0x1000, s7;
	s1 =	sand.u32 @!p0 $0xFF, s1;
	[sflag:s28] =	ssyncset.done @!p1 $0x0  }
0x29: {  	s25 =	simm.s32 $0x380;
	s29 =	sxor.u32 @!p0 $0xFFFFFFFF, s29;
	[sflag:s28] =	ssyncadd.s32 @!p1 $0xFFFFC000  }
0x2a: {  	s1 =	sshll.u32 @!p0 s1, $0xE;
	s29 =	sadd.s32 @!p0 $0x5, s29;
	_ =	swait.ge @!p1 [sflag:s28], $0x4000  }
0x2b: {  	s26 =	sadd.s32 $0x1000, s6;
	s29 =	sand.u32 @!p0 $0xFF, s29;
	[sflag:s28] =	ssyncset.done @!p1 $0x0  }
0x2c: {  	s1 =	sor.u32 @!p0 $0x2800, s1;
	[sflag:s28] =	ssyncadd.s32 @!p1 $0xFFFFC000;
	s28 =	sshll.u32 @!p0 s29, $0xE  }
0x2d: {  	s30 =	simm.s32 @!p0 $0x80;
	s29 =	sor.u32 @!p0 $0x2800, s28;
	s28 =	simm.s32 $0x1  }
.LBB2_2:
0x2e: {  	[tilespmem:s29], [sflag:$0x1] =	stream.indirect.gather @!p0 [hbm4b:s2+s30], $0x80, s31, s30, $0xb8;
	[tilespmem:$0x1A800] =	vst v63  }
0x2f: {  	s31 =	smul.u32 $0xAB, s23;
	s29 =	smov.u32 s23;
	s23 =	sadd.s32 $0x2, s23  }
0x30: {  	[tilespmem:s1], [sflag:$0x1] =	stream.indirect.gather @!p0 [hbm4b:s2+s30], $0x80, s22, s30, $0xb8;
	[tilespmem:$0x1A800] =	vst v63  }
0x31: {  	p1 =	sne.s32 s23, $0x55;
	s1 =	sadd.s32 $0xFFFFFCA9, s31;
	s22 =	sadd.s32 $0xFFFFFD54, s31  }
0x32: {  	s30 =	smov.u32 s24;
	s1 =	sshrl.u32 s1, $0xA;
	s22 =	sshrl.u32 s22, $0xA  }
0x33: {  	s1 =	sand.u32 $0x3F, s1;
	s31 =	sand.u32 $0x3F, s22;
	s22 =	smov.u32 s25  }
0x34: {  	s0 =	smov.u32 s26;
	s1 =	smul.u32 $0x6, s1  }
0x35: {  	s24 =	sadd.s32 $0x1000, s24;
	s31 =	smul.u32 $0x6, s31  }
0x36: {  	p2 =	seq.s32 s29, $0x5;
	s1 =	ssub.s32 s29, s1;
	_ =	swait.ge [sflag:s19], $0x4000  }
0x37: {  	s31 =	ssub.s32 s29, s31;
	s1 =	sadd.s32 $0xFFFFFFFB, s1;
	[sflag:s19] =	ssyncset.done $0x0  }
0x38: {  	s31 =	sadd.s32 $0xFFFFFFFC, s31;
	s1 =	sand.u32 $0xFF, s1;
	[sflag:s19] =	ssyncadd.s32 $0xFFFFC000  }
0x39: {  	p0 =	sgt.u32 @!p2 s28, $0x25;
	s31 =	sand.u32 $0xFF, s31;
	s1 =	sshll.u32 s1, $0xE  }
0x3a: {  	p0 =	por p0, p2;
	s31 =	sshll.u32 s31, $0xE;
	s1 =	sor.u32 $0x2800, s1  }
0x3b: {  	s26 =	sadd.s32 $0x1000, s26;
	s10 =	smul.u32 @!p0 $0xAB, s29;
	s25 =	sadd.s32 $0x100, s25  }
0x3c: {  	[hbm4b:s0+s3] =	stream.linear.scatter [tilespmem:s1], [sflag:$0x2], $0x4000, $0x38;
	[tilespmem:$0x1A800] =	vst v63  }
0x3d: {  	s31 =	sor.u32 $0x2800, s31;
	s0 =	simm.s32 @!p2 $0x2  }
0x3e: {  	s1 =	sadd.s32 @!p0 $0xFFFFFF55, s10;
	s10 =	sshrl.u32 @!p0 s10, $0xA;
	_ =	swait.ge [sflag:s19], $0x4000  }
0x3f: {  	s1 =	sshrl.u32 @!p0 s1, $0xA;
	s10 =	sand.u32 @!p0 $0x3F, s10;
	[sflag:s19] =	ssyncset.done $0x0  }
0x40: {  	s1 =	sand.u32 @!p0 $0x3F, s1;
	s10 =	smul.u32 @!p0 $0x6, s10;
	[sflag:s19] =	ssyncadd.s32 $0xFFFFC000  }
0x41: {  	[hbm4b:s30+s3] =	stream.linear.scatter [tilespmem:s31], [sflag:$0x2], $0x4000, $0x38;
	[tilespmem:$0x1A800] =	vst v63  }
0x42: {  	s1 =	smul.u32 @!p0 $0x6, s1;
	_ =	swait.ge @!p2 [sflag:s0], $0x4000  }
0x43: {  	s30 =	simm.s32 @!p0 $0x80;
	s31 =	sadd.s32 @!p0 $0xFFFFFF80, s22;
	[sflag:s0] =	ssyncset.done @!p2 $0x0  }
.Ltmp0:
0x44: {  	s1 =	sxor.u32 @!p0 $0xFFFFFFFF, s1;
	[sflag:s0] =	ssyncadd.s32 @!p2 $0xFFFFC000;
	(pc) =	sbr.rel @p1 .LBB2_2-.Ltmp0, $4  }
0x45: {  	s10 =	ssub.s32 @!p0 s29, s10;
	s1 =	sadd.s32 @!p0 s29, s1;
	_ =	swait.ge @!p2 [sflag:s0], $0x4000  }
0x46: {  	s10 =	sand.u32 @!p0 $0xFF, s10;
	s1 =	sand.u32 @!p0 $0xFF, s1;
	[sflag:s0] =	ssyncset.done @!p2 $0x0  }
0x47: {  	[sflag:s0] =	ssyncadd.s32 @!p2 $0xFFFFC000;
	s0 =	sshll.u32 @!p0 s1, $0xE;
	s1 =	sshll.u32 @!p0 s10, $0xE  }
0x48: {  	s28 =	sadd.s32 $0x1, s28;
	s29 =	sor.u32 @!p0 $0x2800, s0;
	s1 =	sor.u32 @!p0 $0x2800, s1  }
0x49: {  	[tilespmem:s29], [sflag:$0x1] =	stream.indirect.gather @!p0 [hbm4b:s2+s30], $0x80, s31, s30, $0xb8;
	[tilespmem:$0x1A800] =	vst v63  }
0x4a: {  	s21 =	sadd.s32 $0x1, s21  }
0x4b: {  	[tilespmem:s1], [sflag:$0x1] =	stream.indirect.gather @!p0 [hbm4b:s2+s30], $0x80, s22, s30, $0xb8;
	[tilespmem:$0x1A800] =	vst v63  }
0x4c: {  	p0 =	sne.s32 s21, s5;
	_ =	swait.ge [sflag:s20], $0x4000  }
.Ltmp1:
0x4d: {  	[sflag:s20] =	ssyncset.done $0x0;
	(pc) =	sbr.rel @p0 .LBB2_1-.Ltmp1, $4  }
0x4e: {  	[sflag:s20] =	ssyncadd.s32 $0xFFFFC000  }
0x4f: {  	_ =	swait.ge [sflag:s20], $0x4000  }
0x50: {  	[sflag:s20] =	ssyncset.done $0x0  }
0x51: {  	[sflag:s20] =	ssyncadd.s32 $0xFFFFC000  }
0x52: {  	_ =	sfence.sel $0x180000  }
0x53: {  	[bflag:$0x0] =	sbarrier.arrive $0xFFFF  }
0x54: {  	_ =	strace $0x90000047  }
0x55: {  	s0 =	stileid.u32;
	[bflag:$0x2] =	sbarrier.arrive $0xFFFF  }
0x56: {  	p0 =	sne.s32 s0, $0x0;
	s0 =	rddreg [dreg:$0x3]  }
0x57: {  	s0 =	sadd.s32 @!p0 $0x100000, s0  }
0x58: {  	[sflag:s0] =	ssyncadd.tile.s32 @!p0 $0x1;
	_ =	shalt  }
.Lfunc_end2:
_tile_overlayer_lowered:
.L_overlay_start_2:
0x59: {  	(tag) =	ssettag $0x2  }
0x5a: {  	s0 =	rddreg [dreg:$0x0];
	s2 =	stileid.u32  }
0x5b: {  	s1 =	rddreg [dreg:$0x1];
	p0 =	sne.s32 s2, $0x0  }
0x5c: {  	s3 =	rddreg [dreg:$0x2];
	[bflag:$0x3] =	sbarrier.arrive $0xFFFF;
	s2 =	simm.s32 @!p0 $0x1C03  }
0x5d: {  	[timem:s3], [sflag:s2] =	dma.local @!p0 [hbm:s0], s1  }
0x5e: {  	s0 =	simm.s32 @!p0 $0x3  }
0x5f: {  	_ =	swait.ge @!p0 [sflag:s0], s1  }
0x60: {  	s1 =	ssub.s32 @!p0 $0x0, s1;
	[sflag:s0] =	ssyncset.done @!p0 $0x0  }
0x61: {  	[sflag:s0] =	ssyncadd.s32 @!p0 s1  }
0x62: {  	[bflag:$0x3] =	sbarrier.arrive $0xFFFF  }
0x63: {  	_ =	shalt  }

</sc_bundles>
